<compile_context>
chip_gen: v7x
topology: tpu7x:2x2x1
jax: 0.10.2.dev20260603
libtpu: 0.0.44.dev20260713+nightly
codegen_flags: <defaults>
</compile_context>

<pallas_src>
import functools

import jax
import jax.numpy as jnp
from jax import lax
from jax.experimental import pallas as pl
from jax.experimental.pallas import tpu as pltpu
from jax.experimental.pallas import tpu_sc as plsc

NC = 2
NS = 16
NW = NC * NS
CHUNK = 80


def _sc_aggregate(n_feat, zeros, src, dst):
    n, d = n_feat.shape
    e = src.shape[0]
    ept = e // NW
    nchunks = ept // CHUNK
    rows_per_tile = n // NS

    mesh = plsc.VectorSubcoreMesh(core_axis_name="c", subcore_axis_name="s")

    @functools.partial(
        pl.kernel,
        out_type=jax.ShapeDtypeStruct((NC, n, d), jnp.float32),
        mesh=mesh,
        scratch_types=[
            pltpu.VMEM((CHUNK,), jnp.int32),
            pltpu.VMEM((CHUNK,), jnp.int32),
            pltpu.VMEM((CHUNK, d), jnp.float32),
            pltpu.VMEM_SHARED((n, d), jnp.float32),
        ],
    )
    def body(nfeat_hbm, zeros_hbm, src_hbm, dst_hbm, part_hbm,
             idx_s, idx_d, rows, acc):
        cid = lax.axis_index("c")
        sid = lax.axis_index("s")
        wid = sid * NC + cid
        base = wid * ept
        row0 = sid * rows_per_tile

        @pl.when(cid == 0)
        def _():
            pltpu.sync_copy(nfeat_hbm.at[pl.ds(row0, rows_per_tile)],
                            acc.at[pl.ds(row0, rows_per_tile)])

        @pl.when(cid == 1)
        def _():
            pltpu.sync_copy(zeros_hbm.at[pl.ds(row0, rows_per_tile)],
                            acc.at[pl.ds(row0, rows_per_tile)])

        plsc.subcore_barrier()

        def chunk_body(k, carry):
            off = base + k * CHUNK
            pltpu.sync_copy(src_hbm.at[pl.ds(off, CHUNK)], idx_s)
            pltpu.sync_copy(dst_hbm.at[pl.ds(off, CHUNK)], idx_d)
            pltpu.sync_copy(nfeat_hbm.at[idx_s], rows)
            pltpu.sync_copy(rows, acc.at[idx_d], add=True)
            return carry

        lax.fori_loop(0, nchunks, chunk_body, 0)

        plsc.subcore_barrier()
        pltpu.sync_copy(acc.at[pl.ds(row0, rows_per_tile)],
                        part_hbm.at[cid, pl.ds(row0, rows_per_tile)])

    return body(n_feat, zeros, src, dst)


def _tc_combine(part, n):
    _, _, d = part.shape
    block = 1000
    grid = n // block

    def add_body(p_ref, o_ref):
        o_ref[...] = p_ref[0] + p_ref[1]

    return pl.pallas_call(
        add_body,
        grid=(grid,),
        in_specs=[pl.BlockSpec((NC, block, d), lambda i: (0, i, 0))],
        out_specs=pl.BlockSpec((block, d), lambda i: (i, 0)),
        out_shape=jax.ShapeDtypeStruct((n, d), jnp.float32),
    )(part)


def kernel(n_feat, edge_index):
    n, d = n_feat.shape
    ei = edge_index.astype(jnp.int32)
    src = ei[0]
    dst = ei[1]

    align = 8 * NS
    n_pad = (n + align - 1) // align * align
    nf_pad = jnp.pad(n_feat, ((0, n_pad - n), (0, 0)))
    zeros = jnp.zeros_like(nf_pad)

    part = _sc_aggregate(nf_pad, zeros, src, dst)
    return _tc_combine(part, n)

# --- scband reference (transcript-rebuilt; emitter-appended) ---
"""Pipeline reference for scband-message-layer-29386166239873 (READ-ONLY COPY).

The authoritative reference and input builder live on the scoring server;
editing this copy changes nothing except your own understanding.
"""

import jax, jax.numpy as jnp
import numpy as np

N_NODES = 10000
N_EDGES = 320000
D_FEAT = 128


def setup_inputs(seed: int = 0) -> dict:
    key = jax.random.key(seed)
    k1, k2 = jax.random.split(key)
    n_feat = jax.random.normal(k1, (N_NODES, D_FEAT), dtype=jnp.float32)
    edge_index = jax.random.randint(k2, (2, N_EDGES), 0, N_NODES, dtype=jnp.int64)
    return {"n_feat": n_feat, "edge_index": edge_index}


def reference(n_feat, edge_index):
    # DGL: graph.update_all(fn.copy_u('h','m'), fn.sum('m','h')) then n_feat += aggregated
    src = edge_index[0]
    dst = edge_index[1]
    msgs = jnp.take(n_feat, src, axis=0)              # copy_u: gather source features
    agg = jax.ops.segment_sum(msgs, dst, num_segments=n_feat.shape[0])  # sum reduce to dst
    return n_feat + agg

if __name__ == "__main__":
    import jax
    _d = setup_inputs()
    print(jax.jit(kernel)(*tuple(_d.values())))

</pallas_src>

<mosaic_0001>
#map = affine_map<(d0, d1) -> (0, 0)>
#map1 = affine_map<(d0, d1) -> (0)>
#map2 = affine_map<(d0, d1) -> (0, 0, 0)>
module attributes {stable_mosaic.version = 14 : i64} {
  func.func @body(%arg0: i32, %arg1: i32, %arg2: memref<10112x128xf32, #tpu.memory_space<hbm>>, %arg3: memref<10112x128xf32, #tpu.memory_space<hbm>>, %arg4: memref<320000xi32, #tpu.memory_space<hbm>>, %arg5: memref<320000xi32, #tpu.memory_space<hbm>>, %arg6: memref<2x10112x128xf32, #tpu.memory_space<hbm>>, %arg7: memref<80xi32, #tpu.memory_space<vmem>>, %arg8: memref<80xi32, #tpu.memory_space<vmem>>, %arg9: memref<80x128xf32, #tpu.memory_space<vmem>>, %arg10: memref<10112x128xf32, #tpu.memory_space<vmem_shared>>) attributes {dimension_semantics = [#tpu.dimension_semantics<core_parallel>, #tpu.dimension_semantics<subcore_parallel>], iteration_bounds = array<i64: 2, 16>, scalar_prefetch = 0 : i64, scratch_operands = 4 : i64, tpu.core_type = #tpu.core_type<sc_vector_subcore>, window_params = [{transform_indices = #map}, {transform_indices = #map}, {transform_indices = #map1}, {transform_indices = #map1}, {transform_indices = #map2}]} {
    %mul3A = arith.constant 2 : i32
    %mul3A_0 = arith.muli %arg1, %mul3A : i32
    %add3A = arith.addi %mul3A_0, %arg0 : i32
    %mul3A_1 = arith.constant 10000 : i32
    %mul3A_2 = arith.muli %add3A, %mul3A_1 : i32
    %mul3A_3 = arith.constant 632 : i32
    %mul3A_4 = arith.muli %arg1, %mul3A_3 : i32
    %eq3A = arith.constant 0 : i32
    %eq3A_5 = arith.cmpi eq, %arg0, %eq3A : i32
    %convert_element_type3A = arith.extui %eq3A_5 : i1 to i32
    %cond3A = arith.constant 0 : i32
    %cond3A_6 = arith.cmpi ne, %convert_element_type3A, %cond3A : i32
    scf.if %cond3A_6 {
      "tpu.region"() ({
        %run_scoped3A = tpu.sem_alloc : memref<!tpu.dma_semaphore, #tpu.memory_space<semaphore_mem>>
        %dma_start3A = arith.constant 0 : i32
        %dma_start3A_18 = tpu.memref_slice %arg10[%mul3A_4, %dma_start3A] : memref<10112x128xf32, #tpu.memory_space<vmem_shared>> -> memref<632x128xf32, #tpu.memory_space<vmem_shared>>
        %dma_start3A_19 = arith.constant 0 : i32
        %dma_start3A_20 = tpu.memref_slice %arg2[%mul3A_4, %dma_start3A_19] : memref<10112x128xf32, #tpu.memory_space<hbm>> -> memref<632x128xf32, #tpu.memory_space<hbm>>
        tpu.enqueue_dma source(%dma_start3A_20 : memref<632x128xf32, #tpu.memory_space<hbm>>) target(%dma_start3A_18 : memref<632x128xf32, #tpu.memory_space<vmem_shared>>) target_semaphore(%run_scoped3A : memref<!tpu.dma_semaphore, #tpu.memory_space<semaphore_mem>>)
        %dma_wait3A = arith.constant 0 : i32
        %dma_wait3A_21 = tpu.memref_slice %arg10[%mul3A_4, %dma_wait3A] : memref<10112x128xf32, #tpu.memory_space<vmem_shared>> -> memref<632x128xf32, #tpu.memory_space<vmem_shared>>
        %dma_wait3A_22 = arith.constant 0 : i32
        %dma_wait3A_23 = tpu.memref_slice %arg2[%mul3A_4, %dma_wait3A_22] : memref<10112x128xf32, #tpu.memory_space<hbm>> -> memref<632x128xf32, #tpu.memory_space<hbm>>
        tpu.wait_dma2 semaphore(%run_scoped3A : memref<!tpu.dma_semaphore, #tpu.memory_space<semaphore_mem>>) src(%dma_wait3A_23 : memref<632x128xf32, #tpu.memory_space<hbm>>) dst(%dma_wait3A_21 : memref<632x128xf32, #tpu.memory_space<vmem_shared>>)
        tpu.yield
      }) : () -> ()
    } else {
    }
    %eq3A_7 = arith.constant 1 : i32
    %eq3A_8 = arith.cmpi eq, %arg0, %eq3A_7 : i32
    %convert_element_type3A_9 = arith.extui %eq3A_8 : i1 to i32
    %cond3A_10 = arith.constant 0 : i32
    %cond3A_11 = arith.cmpi ne, %convert_element_type3A_9, %cond3A_10 : i32
    scf.if %cond3A_11 {
      "tpu.region"() ({
        %run_scoped3A = tpu.sem_alloc : memref<!tpu.dma_semaphore, #tpu.memory_space<semaphore_mem>>
        %dma_start3A = arith.constant 0 : i32
        %dma_start3A_18 = tpu.memref_slice %arg10[%mul3A_4, %dma_start3A] : memref<10112x128xf32, #tpu.memory_space<vmem_shared>> -> memref<632x128xf32, #tpu.memory_space<vmem_shared>>
        %dma_start3A_19 = arith.constant 0 : i32
        %dma_start3A_20 = tpu.memref_slice %arg3[%mul3A_4, %dma_start3A_19] : memref<10112x128xf32, #tpu.memory_space<hbm>> -> memref<632x128xf32, #tpu.memory_space<hbm>>
        tpu.enqueue_dma source(%dma_start3A_20 : memref<632x128xf32, #tpu.memory_space<hbm>>) target(%dma_start3A_18 : memref<632x128xf32, #tpu.memory_space<vmem_shared>>) target_semaphore(%run_scoped3A : memref<!tpu.dma_semaphore, #tpu.memory_space<semaphore_mem>>)
        %dma_wait3A = arith.constant 0 : i32
        %dma_wait3A_21 = tpu.memref_slice %arg10[%mul3A_4, %dma_wait3A] : memref<10112x128xf32, #tpu.memory_space<vmem_shared>> -> memref<632x128xf32, #tpu.memory_space<vmem_shared>>
        %dma_wait3A_22 = arith.constant 0 : i32
        %dma_wait3A_23 = tpu.memref_slice %arg3[%mul3A_4, %dma_wait3A_22] : memref<10112x128xf32, #tpu.memory_space<hbm>> -> memref<632x128xf32, #tpu.memory_space<hbm>>
        tpu.wait_dma2 semaphore(%run_scoped3A : memref<!tpu.dma_semaphore, #tpu.memory_space<semaphore_mem>>) src(%dma_wait3A_23 : memref<632x128xf32, #tpu.memory_space<hbm>>) dst(%dma_wait3A_21 : memref<632x128xf32, #tpu.memory_space<vmem_shared>>)
        tpu.yield
      }) : () -> ()
    } else {
    }
    %barrier3A = arith.constant 0 : index
    tpu.barrier barrier_id(%barrier3A)
    %scan3A = arith.constant 0 : i32
    %scan3A_12 = arith.constant 0 : i32
    %scan3A_13 = arith.constant 125 : i32
    %scan3A_14 = arith.addi %scan3A_12, %scan3A_13 : i32
    %scan3A_15 = arith.constant 1 : i32
    scf.for %scan3A_18 = %scan3A_12 to %scan3A_14 step %scan3A_15  : i32 {
      %mul3A_19 = arith.constant 80 : i32
      %mul3A_20 = arith.muli %scan3A_18, %mul3A_19 : i32
      %add3A_21 = arith.addi %mul3A_2, %mul3A_20 : i32
      "tpu.region"() ({
        %run_scoped3A = tpu.sem_alloc : memref<!tpu.dma_semaphore, #tpu.memory_space<semaphore_mem>>
        %dma_start3A = tpu.memref_slice %arg4[%add3A_21] : memref<320000xi32, #tpu.memory_space<hbm>> -> memref<80xi32, #tpu.memory_space<hbm>>
        %dma_start3A_22 = tpu.memref_slice %arg4[%add3A_21] : memref<320000xi32, #tpu.memory_space<hbm>> -> memref<80xi32, #tpu.memory_space<hbm>>
        tpu.enqueue_dma source(%dma_start3A_22 : memref<80xi32, #tpu.memory_space<hbm>>) target(%arg7 : memref<80xi32, #tpu.memory_space<vmem>>) target_semaphore(%run_scoped3A : memref<!tpu.dma_semaphore, #tpu.memory_space<semaphore_mem>>)
        %dma_wait3A = tpu.memref_slice %arg4[%add3A_21] : memref<320000xi32, #tpu.memory_space<hbm>> -> memref<80xi32, #tpu.memory_space<hbm>>
        %dma_wait3A_23 = tpu.memref_slice %arg4[%add3A_21] : memref<320000xi32, #tpu.memory_space<hbm>> -> memref<80xi32, #tpu.memory_space<hbm>>
        tpu.wait_dma2 semaphore(%run_scoped3A : memref<!tpu.dma_semaphore, #tpu.memory_space<semaphore_mem>>) src(%dma_wait3A_23 : memref<80xi32, #tpu.memory_space<hbm>>) dst(%arg7 : memref<80xi32, #tpu.memory_space<vmem>>)
        tpu.yield
      }) : () -> ()
      "tpu.region"() ({
        %run_scoped3A = tpu.sem_alloc : memref<!tpu.dma_semaphore, #tpu.memory_space<semaphore_mem>>
        %dma_start3A = tpu.memref_slice %arg5[%add3A_21] : memref<320000xi32, #tpu.memory_space<hbm>> -> memref<80xi32, #tpu.memory_space<hbm>>
        %dma_start3A_22 = tpu.memref_slice %arg5[%add3A_21] : memref<320000xi32, #tpu.memory_space<hbm>> -> memref<80xi32, #tpu.memory_space<hbm>>
        tpu.enqueue_dma source(%dma_start3A_22 : memref<80xi32, #tpu.memory_space<hbm>>) target(%arg8 : memref<80xi32, #tpu.memory_space<vmem>>) target_semaphore(%run_scoped3A : memref<!tpu.dma_semaphore, #tpu.memory_space<semaphore_mem>>)
        %dma_wait3A = tpu.memref_slice %arg5[%add3A_21] : memref<320000xi32, #tpu.memory_space<hbm>> -> memref<80xi32, #tpu.memory_space<hbm>>
        %dma_wait3A_23 = tpu.memref_slice %arg5[%add3A_21] : memref<320000xi32, #tpu.memory_space<hbm>> -> memref<80xi32, #tpu.memory_space<hbm>>
        tpu.wait_dma2 semaphore(%run_scoped3A : memref<!tpu.dma_semaphore, #tpu.memory_space<semaphore_mem>>) src(%dma_wait3A_23 : memref<80xi32, #tpu.memory_space<hbm>>) dst(%arg8 : memref<80xi32, #tpu.memory_space<vmem>>)
        tpu.yield
      }) : () -> ()
      "tpu.region"() ({
        %run_scoped3A = tpu.sem_alloc : memref<!tpu.dma_semaphore, #tpu.memory_space<semaphore_mem>>
        %dma_start3A = arith.constant 0 : i32
        %dma_start3A_22 = arith.constant 0 : i32
        %dma_start3A_23 = tpu.memref_slice %arg2[%dma_start3A, %dma_start3A_22] : memref<10112x128xf32, #tpu.memory_space<hbm>> -> memref<10112x128xf32, #tpu.memory_space<hbm>>
        tpu.enqueue_indirect_dma source(%dma_start3A_23 : memref<10112x128xf32, #tpu.memory_space<hbm>>) target(%arg9 : memref<80x128xf32, #tpu.memory_space<vmem>>) offsets(%arg7 : memref<80xi32, #tpu.memory_space<vmem>>) semaphore(%run_scoped3A : memref<!tpu.dma_semaphore, #tpu.memory_space<semaphore_mem>>)
        %dma_wait3A = arith.constant 0 : i32
        %dma_wait3A_24 = arith.constant 0 : i32
        %dma_wait3A_25 = tpu.memref_slice %arg2[%dma_wait3A, %dma_wait3A_24] : memref<10112x128xf32, #tpu.memory_space<hbm>> -> memref<10112x128xf32, #tpu.memory_space<hbm>>
        tpu.wait_indirect_dma semaphore(%run_scoped3A : memref<!tpu.dma_semaphore, #tpu.memory_space<semaphore_mem>>) src(%dma_wait3A_25 : memref<10112x128xf32, #tpu.memory_space<hbm>>) dst(%arg9 : memref<80x128xf32, #tpu.memory_space<vmem>>)
        tpu.yield
      }) : () -> ()
      "tpu.region"() ({
        %run_scoped3A = tpu.sem_alloc : memref<!tpu.dma_semaphore, #tpu.memory_space<semaphore_mem>>
        %dma_start3A = arith.constant 0 : i32
        %dma_start3A_22 = arith.constant 0 : i32
        %dma_start3A_23 = tpu.memref_slice %arg10[%dma_start3A, %dma_start3A_22] : memref<10112x128xf32, #tpu.memory_space<vmem_shared>> -> memref<10112x128xf32, #tpu.memory_space<vmem_shared>>
        tpu.enqueue_indirect_dma source(%arg9 : memref<80x128xf32, #tpu.memory_space<vmem>>) target(%dma_start3A_23 : memref<10112x128xf32, #tpu.memory_space<vmem_shared>>) offsets(%arg8 : memref<80xi32, #tpu.memory_space<vmem>>) semaphore(%run_scoped3A : memref<!tpu.dma_semaphore, #tpu.memory_space<semaphore_mem>>) {add = true}
        %dma_wait3A = arith.constant 0 : i32
        %dma_wait3A_24 = arith.constant 0 : i32
        %dma_wait3A_25 = tpu.memref_slice %arg10[%dma_wait3A, %dma_wait3A_24] : memref<10112x128xf32, #tpu.memory_space<vmem_shared>> -> memref<10112x128xf32, #tpu.memory_space<vmem_shared>>
        tpu.wait_indirect_dma semaphore(%run_scoped3A : memref<!tpu.dma_semaphore, #tpu.memory_space<semaphore_mem>>) src(%arg9 : memref<80x128xf32, #tpu.memory_space<vmem>>) dst(%dma_wait3A_25 : memref<10112x128xf32, #tpu.memory_space<vmem_shared>>)
        tpu.yield
      }) : () -> ()
    }
    %scan3A_16 = arith.constant 125 : i32
    %barrier3A_17 = arith.constant 0 : index
    tpu.barrier barrier_id(%barrier3A_17)
    "tpu.region"() ({
      %run_scoped3A = tpu.sem_alloc : memref<!tpu.dma_semaphore, #tpu.memory_space<semaphore_mem>>
      %dma_start3A = arith.constant 0 : i32
      %dma_start3A_18 = tpu.memref_slice %arg6[%arg0, %mul3A_4, %dma_start3A] : memref<2x10112x128xf32, #tpu.memory_space<hbm>> -> memref<1x632x128xf32, #tpu.memory_space<hbm>>
      %dma_start3A_19 = tpu.memref_squeeze %dma_start3A_18 : memref<1x632x128xf32, #tpu.memory_space<hbm>> -> memref<632x128xf32, #tpu.memory_space<hbm>>
      %dma_start3A_20 = arith.constant 0 : i32
      %dma_start3A_21 = tpu.memref_slice %arg10[%mul3A_4, %dma_start3A_20] : memref<10112x128xf32, #tpu.memory_space<vmem_shared>> -> memref<632x128xf32, #tpu.memory_space<vmem_shared>>
      tpu.enqueue_dma source(%dma_start3A_21 : memref<632x128xf32, #tpu.memory_space<vmem_shared>>) target(%dma_start3A_19 : memref<632x128xf32, #tpu.memory_space<hbm>>) target_semaphore(%run_scoped3A : memref<!tpu.dma_semaphore, #tpu.memory_space<semaphore_mem>>)
      %dma_wait3A = arith.constant 0 : i32
      %dma_wait3A_22 = tpu.memref_slice %arg6[%arg0, %mul3A_4, %dma_wait3A] : memref<2x10112x128xf32, #tpu.memory_space<hbm>> -> memref<1x632x128xf32, #tpu.memory_space<hbm>>
      %dma_wait3A_23 = tpu.memref_squeeze %dma_wait3A_22 : memref<1x632x128xf32, #tpu.memory_space<hbm>> -> memref<632x128xf32, #tpu.memory_space<hbm>>
      %dma_wait3A_24 = arith.constant 0 : i32
      %dma_wait3A_25 = tpu.memref_slice %arg10[%mul3A_4, %dma_wait3A_24] : memref<10112x128xf32, #tpu.memory_space<vmem_shared>> -> memref<632x128xf32, #tpu.memory_space<vmem_shared>>
      tpu.wait_dma2 semaphore(%run_scoped3A : memref<!tpu.dma_semaphore, #tpu.memory_space<semaphore_mem>>) src(%dma_wait3A_25 : memref<632x128xf32, #tpu.memory_space<vmem_shared>>) dst(%dma_wait3A_23 : memref<632x128xf32, #tpu.memory_space<hbm>>)
      tpu.yield
    }) : () -> ()
    return
  }
}

module attributes {stable_mosaic.version = 14 : i64} {
  func.func @add_body(%arg0: i32, %arg1: memref<2x1000x128xf32, #tpu.memory_space<vmem>>, %arg2: memref<1000x128xf32, #tpu.memory_space<vmem>>) attributes {dimension_semantics = [#tpu.dimension_semantics<arbitrary>], iteration_bounds = array<i64: 10>, scalar_prefetch = 0 : i64, scratch_operands = 0 : i64, tpu.core_type = #tpu.core_type<tc>, window_params = [{transform_indices = @transform_0, window_bounds = array<i64: 2, 1000, 128>}, {transform_indices = @transform_1, window_bounds = array<i64: 1000, 128>}]} {
    %get3A = arith.constant 0 : index
    %get3A_0 = arith.constant 0 : index
    %get3A_1 = arith.constant 0 : index
    %get3A_2 = vector.load %arg1[%get3A, %get3A_0, %get3A_1] : memref<2x1000x128xf32, #tpu.memory_space<vmem>>, vector<1x1000x128xf32>
    %get3A_3 = vector.shape_cast %get3A_2 : vector<1x1000x128xf32> to vector<1000x128xf32>
    %get3A_4 = arith.constant 1 : index
    %get3A_5 = arith.constant 0 : index
    %get3A_6 = arith.constant 0 : index
    %get3A_7 = vector.load %arg1[%get3A_4, %get3A_5, %get3A_6] : memref<2x1000x128xf32, #tpu.memory_space<vmem>>, vector<1x1000x128xf32>
    %get3A_8 = vector.shape_cast %get3A_7 : vector<1x1000x128xf32> to vector<1000x128xf32>
    %add3A = arith.addf %get3A_3, %get3A_8 : vector<1000x128xf32>
    %swap3A = arith.constant 0 : index
    %swap3A_9 = arith.constant 0 : index
    %swap3A_10 = vector.load %arg2[%swap3A, %swap3A_9] : memref<1000x128xf32, #tpu.memory_space<vmem>>, vector<1000x128xf32>
    tpu.vector_store %arg2[%swap3A, %swap3A_9], %add3A {strides = array<i32>} : memref<1000x128xf32, #tpu.memory_space<vmem>>, vector<1000x128xf32>,
    return
  }
  func.func @transform_0(%arg0: i32) -> (i32, i32, i32) {
    %c0_i32 = arith.constant 0 : i32
    %c0_i32_0 = arith.constant 0 : i32
    %c0_i32_1 = arith.constant 0 : i32
    return %c0_i32, %arg0, %c0_i32_0 : i32, i32, i32
  }
  func.func @transform_1(%arg0: i32) -> (i32, i32) {
    %c0_i32 = arith.constant 0 : i32
    %c0_i32_0 = arith.constant 0 : i32
    return %arg0, %c0_i32 : i32, i32
  }
}

</mosaic_0001>

<sc_bundles>
// kernel: kernel.4.cloned.1.call-start
scs
__scs_entry_jumppad:
0x0: {  	(pc) =	sbr.rel $0x88, $3  }
0x1: {  	(tag) =	ssettag $0x0;
	lr =	simm.s32 $0x1  }
0x2: {  	[smem:$0x3F9F] =	sst lr;
	_ =	strace $0xD0000000  }
0x3: {  	_ = 	snop  }
0x4: {  	_ = 	snop  }
0x5: {  	_ = 	snop  }
0x6: {  	_ = 	snop  }
0x7: {  	_ = 	snop  }
__scs_overlays_trampoline_lowered:
0x8: {  	[smem:$0x3FAE] =	sst s0  }
0x9: {  	[smem:$0x3FAF] =	sst s1  }
0xa: {  	[smem:$0x3FB0] =	sst s2  }
0xb: {  	[smem:$0x3FB1] =	sst s3  }
0xc: {  	[smem:$0x3FB2] =	sst s4  }
0xd: {  	[smem:$0x3FB3] =	sst s5  }
0xe: {  	[smem:$0x3FB4] =	sst s6  }
0xf: {  	[smem:$0x3FB5] =	sst s7  }
0x10: {  	[smem:$0x3FB6] =	sst s8  }
0x11: {  	[smem:$0x3FB7] =	sst s9;
	s0 =	simm.s32 @!p0 $0x0  }
0x12: {  	s1 =	sld [smem:$0x3F9D];
	s0 =	simm.s32 @p0 $0x1  }
0x13: {  	[smem:$0x3FB8] =	sst s0;
	s0 =	simm.s32 @!p1 $0x0  }
0x14: {  	s2 =	sld [smem:$0x3F9C];
	s0 =	simm.s32 @p1 $0x1  }
0x15: {  	[smem:$0x3FB9] =	sst s0;
	s0 =	simm.s32 @!p2 $0x0  }
0x16: {  	s3 =	sld [smem:$0x3FDB];
	s0 =	simm.s32 @p2 $0x1  }
0x17: {  	s4 =	simm.s32 $0x1BF5;
	[smem:$0x3FBB] =	sst s0  }
0x18: {  	s0 =	sld [smem:$0x3F9E];
	_ =	swait.ge [sflag:s4], $0x0  }
0x19: {  	s7 =	sld [smem:$0x3F9F]  }
0x1a: {  	s8 =	sadd.s32 $0xFFFFE003, lr  }
0x1b: {  	s9 =	sadd.s32 $0xFFFFFEF7, lr;
	s5 =	simm.s32 $0xFFFFFFFF;
	p2 =	slt.u32 s8, $0xFFFFF086  }
0x1c: {  	p1 =	slt.u32 s9, $0xF7A;
	s5 =	simm.s32 @!p2 $0x0  }
0x1d: {  	s5 =	simm.s32 @p1 $0x1;
	p0 =	seq.s32 s7, s2  }
0x1e: {  	s7 =	smul.u32 @!p0 $0xF7A, s2;
	p2 =	seq.s32 @!p0 s5, $0x0  }
0x1f: {  	s9 =	smul.u32 $0xF7A, s1;
	s8 =	simm.s32 @!p0 $0x1BF5;
	p2 =	por !p2, p0  }
0x20: {  	[sflag:s8] =	ssyncset.s32 @!p0 $0xFFFFF086;
	s6 =	sadd.s32 @!p0 s3, s7;
	s7 =	simm.s32 @!p0 $0x108  }
0x21: {  	s3 =	sadd.s32 s3, s9;
	s6 =	sadd.s32 @!p0 $0x88, s6;
	s7 =	simm.s32 @p2 $0x1082  }
0x22: {  	[simem:s7], [sflag:s8] =	dma.local @!p0 [hbm:s6], $0xF7A  }
0x23: {  	s9 =	sor.u32 $0xD0000000, s2;
	s6 =	simm.s32 $0x108;
	_ =	swait.ge @!p0 [sflag:s8], $0x0  }
0x24: {  	s3 =	sadd.s32 $0x88, s3;
	s6 =	simm.s32 @!p1 $0x1082;
	[sflag:s4] =	ssyncset.s32 $0xFFFFF086  }
0x25: {  	[simem:s6], [sflag:s4] =	dma.local [hbm:s3], $0xF7A  }
0x26: {  	[smem:$0x3F9F] =	sst s1;
	(tag) =	ssettag s2;
	_ =	strace s9  }
0x27: {  	s1 =	sld [smem:$0x3FAF]  }
0x28: {  	s2 =	sld [smem:$0x3FB0]  }
0x29: {  	s4 =	sld [smem:$0x3FB2]  }
0x2a: {  	p0 =	seq.s32 s5, $0x0;
	s5 =	sld [smem:$0x3FB3]  }
0x2b: {  	s6 =	sld [smem:$0x3FB4]  }
0x2c: {  	s7 =	sld [smem:$0x3FB5]  }
0x2d: {  	s3 =	simm.s32 $0x108;
	s8 =	sld [smem:$0x3FB6]  }
0x2e: {  	s3 =	simm.s32 @!p0 $0x1082;
	s9 =	sld [smem:$0x3FB7]  }
0x2f: {  	lr =	sadd.s32 s0, s3;
	s0 =	sld [smem:$0x3FAE]  }
0x30: {  	s3 =	sld [smem:$0x3FB1]  }
0x31: {  	[smem:$0x3FBA] =	sst s10  }
0x32: {  	s10 =	sld [smem:$0x3FB8];
	_ =	sdelay $0x3  }
0x33: {  	p0 =	seq.s32 s10, $0x1;
	s10 =	sld [smem:$0x3FBA];
	_ =	sdelay $0x3  }
0x34: {  	[smem:$0x3FBA] =	sst s10  }
0x35: {  	s10 =	sld [smem:$0x3FB9];
	_ =	sdelay $0x3  }
0x36: {  	p1 =	seq.s32 s10, $0x1;
	s10 =	sld [smem:$0x3FBA];
	_ =	sdelay $0x3  }
0x37: {  	[smem:$0x3FBA] =	sst s10  }
0x38: {  	s10 =	sld [smem:$0x3FBB]  }
0x39: {  	_ = 	snop;
	(pc) =	sbr.ind lr, $3  }
0x3a: {  	_ = 	snop  }
0x3b: {  	_ = 	snop  }
0x3c: {  	p2 =	seq.s32 s10, $0x1;
	s10 =	sld [smem:$0x3FBA]  }
0x3d: {  	_ =	shalt  }
0x3e: {  	_ =	shalt  }
0x3f: {  	_ =	shalt  }
0x40: {  	_ =	shalt  }
0x41: {  	_ =	shalt  }
0x42: {  	_ =	shalt  }
0x43: {  	_ =	shalt  }
0x44: {  	_ =	shalt  }
0x45: {  	_ =	shalt  }
0x46: {  	_ =	shalt  }
0x47: {  	_ =	shalt  }
0x48: {  	_ =	shalt  }
0x49: {  	_ =	shalt  }
0x4a: {  	_ =	shalt  }
0x4b: {  	_ =	shalt  }
0x4c: {  	_ =	shalt  }
0x4d: {  	_ =	shalt  }
0x4e: {  	_ =	shalt  }
0x4f: {  	_ =	shalt  }
0x50: {  	_ =	shalt  }
0x51: {  	_ =	shalt  }
0x52: {  	_ =	shalt  }
0x53: {  	_ =	shalt  }
0x54: {  	_ =	shalt  }
0x55: {  	_ =	shalt  }
0x56: {  	_ =	shalt  }
0x57: {  	_ =	shalt  }
0x58: {  	_ =	shalt  }
0x59: {  	_ =	shalt  }
0x5a: {  	_ =	shalt  }
0x5b: {  	_ =	shalt  }
0x5c: {  	_ =	shalt  }
0x5d: {  	_ =	shalt  }
0x5e: {  	_ =	shalt  }
0x5f: {  	_ =	shalt  }
0x60: {  	_ =	shalt  }
0x61: {  	_ =	shalt  }
0x62: {  	_ =	shalt  }
0x63: {  	_ =	shalt  }
0x64: {  	_ =	shalt  }
0x65: {  	_ =	shalt  }
0x66: {  	_ =	shalt  }
0x67: {  	_ =	shalt  }
0x68: {  	_ =	shalt  }
0x69: {  	_ =	shalt  }
0x6a: {  	_ =	shalt  }
0x6b: {  	_ =	shalt  }
0x6c: {  	_ =	shalt  }
0x6d: {  	_ =	shalt  }
0x6e: {  	_ =	shalt  }
0x6f: {  	_ =	shalt  }
0x70: {  	_ =	shalt  }
0x71: {  	_ =	shalt  }
0x72: {  	_ =	shalt  }
0x73: {  	_ =	shalt  }
0x74: {  	_ =	shalt  }
0x75: {  	_ =	shalt  }
0x76: {  	_ =	shalt  }
0x77: {  	_ =	shalt  }
0x78: {  	_ =	shalt  }
0x79: {  	_ =	shalt  }
0x7a: {  	_ =	shalt  }
0x7b: {  	_ =	shalt  }
0x7c: {  	_ =	shalt  }
0x7d: {  	_ =	shalt  }
0x7e: {  	_ =	shalt  }
0x7f: {  	_ =	shalt  }
0x80: {  	_ =	shalt  }
0x81: {  	_ =	shalt  }
0x82: {  	_ =	shalt  }
0x83: {  	_ =	shalt  }
0x84: {  	_ =	shalt  }
0x85: {  	_ =	shalt  }
0x86: {  	_ =	shalt  }
0x87: {  	_ =	shalt  }
.Lfunc_end0:
.L_simem_size_0:
called_computation_lowered:
.L_overlay_start_0:
0x88: {  	s2 =	sld [smem:$0x3FD9]  }
0x89: {  	s3 =	sld [smem:$0x3FFE];
	_ =	sdelay $0x1  }
0x8a: {  	s1 =	srdreg.scid  }
0x8b: {  	s0 =	sand.u32 $0x1, s1  }
0x8c: {  	s17 =	sshll.u32 s0, $0xA;
	s2 =	sadd.s32 s3, s2  }
0x8d: {  	s2 =	sadd.s32 s2, s17  }
0x8e: {  	[smem:$0x3FC6] =	sst s2  }
0x8f: {  	_ = 	snop  }
0x90: {  	s2 =	sld [smem:$0x3FD0];
	(tm) =	ssettm $0x1  }
0x91: {  	s18 =	sld [smem:$0x3FFB];
	_ =	sdelay $0x3  }
0x92: {  	_ =	strace s18  }
0x93: {  	s3 =	sld [smem:$0x3FFC];
	_ =	sdelay $0x3  }
0x94: {  	_ =	strace s3  }
0x95: {  	s3 =	sld [smem:$0x3FFD];
	_ =	sdelay $0x3  }
0x96: {  	_ =	strace s3  }
0x97: {  	_ =	strace $0x8FFFFFFF  }
0x98: {  	s19 =	sld [smem:$0x3FDB];
	_ =	sdelay $0x1  }
0x99: {  	s4 =	simm.s32 $_scs_section_size  }
0x9a: {  	s5 =	simm.s32 $_size__tile_overlayer_lowered;
	s6 =	simm.s32 $_tile_overlayer_lowered  }
0x9b: {  	s22 =	simm.s32 $0x1BFF;
	s21 =	sshll.u32 s6, $0x1;
	s3 =	sadd.s32 s4, s19  }
0x9c: {  	s7 =	simm.s32 $0x0;
	s20 =	sshll.u32 s5, $0x1;
	s5 =	sadd.s32 s21, s3  }
0x9d: {  	[timem:s7], [sflag:s22] =	dma.local [hbm:s5], s20  }
0x9e: {  	_ =	swait.ge [sflag:s22], s20  }
0x9f: {  	s4 =	ssub.s32 $0x0, s20;
	[sflag:s22] =	ssyncset.done $0x0  }
0xa0: {  	[sflag:s22] =	ssyncadd.s32 s4;
	_ =	sdelay $0x1  }
0xa1: {  	s23 =	simm.s32 $0x1B8B  }
0xa2: {  	_ =	swait.ge [sflag:s23], $0x1  }
0xa3: {  	[sflag:s23] =	ssyncset.done $0x0  }
0xa4: {  	s25 =	simm.s32 $0x1B8E;
	s24 =	sld [smem:$0x3FFE];
	[sflag:s23] =	ssyncadd.s32 $0xFFFFFFFF  }
0xa5: {  	s26 =	simm.s32 $execute0_lowered;
	[smem:$0x3FD2] =	sst s25  }
0xa6: {  	s5 =	sshll.u32 s26, $0x1;
	_ =	strace $0x80000046;
	[dreg:$0x1] =	wrdreg $0xFFFFFFFF  }
0xa7: {  	s28 =	simm.s32 $_size_execute0_lowered;
	s3 =	sadd.s32 s3, s5;
	[dreg:$0x0] =	wrdreg $0x0  }
0xa8: {  	s5 =	sshll.u32 s28, $0x1;
	[dreg:$0x2] =	wrdreg s3  }
0xa9: {  	[dreg:$0x3] =	wrdreg s5  }
0xaa: {  	[dreg:$0x4] =	wrdreg $0xC0  }
0xab: {  	_ =	task [dreg:s7], $0x5FFFF  }
0xac: {  	[dreg:$0x1] =	wrdreg $0xFFFFFFFF  }
0xad: {  	[dreg:$0x0] =	wrdreg $0x60  }
0xae: {  	[dreg:$0x2] =	wrdreg s24  }
0xaf: {  	[dreg:$0x3] =	wrdreg s2  }
0xb0: {  	[dreg:$0x4] =	wrdreg $0x29000  }
0xb1: {  	[dreg:$0x5] =	wrdreg $0x9  }
0xb2: {  	_ =	task.clear_ibuf [dreg:s7], $0x6FFFF;
	_ =	strace $0x90000046  }
0xb3: {  	s29 =	simm.s32 $0x9;
	_ =	strace $0x80000048  }
0xb4: {  	_ =	swait.ge [sflag:s29], $0x1  }
0xb5: {  	[sflag:s29] =	ssyncadd.s32 $0xFFFFFFFF  }
0xb6: {  	_ =	strace $0x90000048  }
0xb7: {  	_ =	sfence  }
0xb8: {  	s30 =	sld [smem:$0x0];
	_ =	sdelay $0x2  }
0xb9: {  	s31 =	sshll.u32 s1, $0xD;
	s1 =	sshrl.u32 s1, $0x2  }
0xba: {  	s3 =	sand.u32 $0x4000, s31;
	s1 =	sadd.s32 s1, s30  }
0xbb: {  	s0 =	sor.u32 s3, s0;
	s1 =	sshll.u32 s1, $0x11  }
0xbc: {  	s0 =	sor.u32 s1, s0  }
0xbd: {  	s0 =	sadd.s32 $0x8F2B, s0  }
0xbe: {  	[sflag:s0] =	ssyncadd.remote.s32 $0x1  }
0xbf: {  	_ =	sfence.sel $0xFFFF  }
0xc0: {  	[dreg:$0x0] =	wrdreg $0xFFFFFFFF;
	(pc) =	sbr.abs _section_cstart, $3  }
0xc1: {  	[dreg:$0x1] =	wrdreg $0xFFFFFFFF  }
0xc2: {  	_ =	task.clear_ibuf [dreg:s7], $0x2FFFF;
	_ =	strace $0x9FFFFFFF  }
0xc3: {  	(tm) =	ssettm $0x7FFFFFFF  }
tec
execute0_lowered:
.L_overlay_start_1:
0x0: {  	(tag) =	ssettag $0x1  }
0x1: {  	s10 =	rddreg [dreg:$0x0]  }
0x2: {  	s9 =	rddreg [dreg:$0x1]  }
0x3: {  	s1 =	rddreg [dreg:$0x2];
	s2 =	srdreg.scid  }
0x4: {  	s0 =	rddreg [dreg:$0x3];
	s5 =	sand.u32 $0x1, s2  }
0x5: {  	s2 =	stileid.u32;
	s6 =	smul.u32 $0x13C000, s5  }
0x6: {  	s3 =	simm.s32 $0x0;
	s16 =	simm.s32 $0x0;
	s7 =	smul.u32 $0x13C00, s2  }
0x7: {  	[smem:$0x7FF] =	sst s3;
	s4 =	sadd.s32 $0x9E00, s10;
	s12 =	smul.u32 $0x4F000, s2  }
0x8: {  	s8 =	sadd.s32 $0x31600, s10;
	_ =	strace $0x80000047;
	s29 =	smul.u32 $0x4E20, s2  }
0x9: {  	s28 =	ssub.s32 $0x2, s5;
	p0 =	seq.s32 s5, $0x1;
	s13 =	smul.u32 $0x2710, s5  }
0xa: {  	s14 =	smul.u32 $0x2780, s2;
	s15 =	smov.u32 s4;
	s31 =	sshll.u32 s2, $0x6  }
0xb: {  	s11 =	sshrl.u32 s28, $0x1;
	s15 =	smov.u32 @p0 s8;
	s8 =	sor.u32 $0x1C01, s31  }
0xc: {  	s6 =	sadd.s32 s7, s6;
	s7 =	ssub.s32 s28, s11;
	s30 =	sadd.s32 s13, s29  }
0xd: {  	s12 =	sshrl.u32 s12, $0x2;
	s6 =	sshrl.u32 s6, $0x3;
	s13 =	sshrl.u32 s30, $0x3  }
0xe: {  	s12 =	sadd.s32 s12, s1;
	s6 =	sadd.s32 s6, s10;
	s9 =	sadd.s32 s13, s9  }
0xf: {  	s10 =	sadd.s32 s13, s10;
	s11 =	sshrl.u32 s12, $0x3;
	s12 =	simm.s32 $0x1  }
0x10: {  	s13 =	simm.s32 $0x80;
	s5 =	sadd.s32 $0x58E00, s6;
	s6 =	smax.u32 s7, $0x1  }
0x11: {  	s7 =	sadd.s32 s15, s14;
	s14 =	simm.s32 $0x50;
	s15 =	simm.s32 $0x100  }
.LBB2_1:
0x12: {  	[spmem:s11], [sflag:s8] =	dma.local [hbm:s7], $0x2780  }
0x13: {  	_ =	swait.ge [sflag:s12], $0x2780  }
0x14: {  	[sflag:s12] =	ssyncset.done $0x0  }
0x15: {  	[sflag:s12] =	ssyncadd.s32 $0xFFFFD880  }
0x16: {  	s17 =	sadd.s32 $0x0, s10;
	[bflag:$0x0] =	sbarrier.arrive $0xFFFF  }
0x17: {  	[tilespmem:s3], [sflag:$0x1] =	stream.linear.gather [hbm4b:s17+s3], $0x50, $0x38;
	[tilespmem:$0x16500] =	vst v63  }
0x18: {  	_ =	swait.ge [sflag:s12], $0x50  }
0x19: {  	[sflag:s12] =	ssyncset.done $0x0  }
0x1a: {  	s31 =	sadd.s32 $0x0, s9;
	[sflag:s12] =	ssyncadd.s32 $0xFFFFFFB0  }
0x1b: {  	[tilespmem:s13], [sflag:$0x1] =	stream.linear.gather [hbm4b:s31+s3], $0x50, $0x38;
	[tilespmem:$0x16500] =	vst v63  }
0x1c: {  	_ =	swait.ge [sflag:s12], $0x50  }
0x1d: {  	[sflag:s12] =	ssyncset.done $0x0  }
0x1e: {  	[sflag:s12] =	ssyncadd.s32 $0xFFFFFFB0  }
0x1f: {  	[tilespmem:s15], [sflag:$0x1] =	stream.indirect.gather [hbm4b:s4+s14], $0x80, s3, s14, $0xb8;
	[tilespmem:$0x16500] =	vst v63  }
0x20: {  	_ =	swait.ge [sflag:s12], $0x2800  }
0x21: {  	[sflag:s12] =	ssyncset.done $0x0  }
0x22: {  	[sflag:s12] =	ssyncadd.s32 $0xFFFFD800  }
0x23: {  	[spmem:s1] =	stream.indirect.scatter.add.f32 [tilespmem:s15], [sflag:$0x1], $0x80, s13, s14, $0xb8;
	[tilespmem:$0x16500] =	vst v63  }
0x24: {  	_ =	swait.ge [sflag:s12], $0x2800  }
0x25: {  	s18 =	simm.s32 $0x14;
	s17 =	simm.s32 $0xA;
	[sflag:s12] =	ssyncset.done $0x0  }
.LBB2_2:
0x26: {  	s19 =	sadd.s32 s17, s10  }
0x27: {  	[sflag:s12] =	ssyncadd.s32 $0xFFFFD800;
	s20 =	smov.u32 s18;
	s21 =	sadd.s32 $0xA, s18  }
0x28: {  	[tilespmem:s3], [sflag:$0x1] =	stream.linear.gather [hbm4b:s19+s3], $0x50, $0x38;
	[tilespmem:$0x16500] =	vst v63  }
0x29: {  	p0 =	sne.s32 s18, $0x4D8;
	_ =	swait.ge [sflag:s12], $0x50  }
0x2a: {  	[sflag:s12] =	ssyncset.done $0x0  }
0x2b: {  	s18 =	sadd.s32 s17, s9;
	s17 =	smov.u32 s20;
	[sflag:s12] =	ssyncadd.s32 $0xFFFFFFB0  }
0x2c: {  	[tilespmem:s13], [sflag:$0x1] =	stream.linear.gather [hbm4b:s18+s3], $0x50, $0x38;
	[tilespmem:$0x16500] =	vst v63  }
0x2d: {  	_ =	swait.ge [sflag:s12], $0x50  }
0x2e: {  	[sflag:s12] =	ssyncset.done $0x0  }
0x2f: {  	[sflag:s12] =	ssyncadd.s32 $0xFFFFFFB0  }
0x30: {  	[tilespmem:s15], [sflag:$0x1] =	stream.indirect.gather [hbm4b:s4+s14], $0x80, s3, s14, $0xb8;
	[tilespmem:$0x16500] =	vst v63  }
0x31: {  	_ =	swait.ge [sflag:s12], $0x2800  }
.Ltmp0:
0x32: {  	[sflag:s12] =	ssyncset.done $0x0;
	(pc) =	sbr.rel @p0 .LBB2_2-.Ltmp0, $4  }
0x33: {  	[sflag:s12] =	ssyncadd.s32 $0xFFFFD800  }
0x34: {  	[spmem:s1] =	stream.indirect.scatter.add.f32 [tilespmem:s15], [sflag:$0x1], $0x80, s13, s14, $0xb8;
	[tilespmem:$0x16500] =	vst v63  }
0x35: {  	_ =	swait.ge [sflag:s12], $0x2800  }
0x36: {  	s18 =	smov.u32 s21;
	[sflag:s12] =	ssyncset.done $0x0  }
0x37: {  	s18 =	sadd.s32 s17, s10;
	[sflag:s12] =	ssyncadd.s32 $0xFFFFD800  }
0x38: {  	[tilespmem:s3], [sflag:$0x1] =	stream.linear.gather [hbm4b:s18+s3], $0x50, $0x38;
	[tilespmem:$0x16500] =	vst v63  }
0x39: {  	_ =	swait.ge [sflag:s12], $0x50  }
0x3a: {  	[sflag:s12] =	ssyncset.done $0x0  }
0x3b: {  	s31 =	sadd.s32 s17, s9;
	[sflag:s12] =	ssyncadd.s32 $0xFFFFFFB0  }
0x3c: {  	[tilespmem:s13], [sflag:$0x1] =	stream.linear.gather [hbm4b:s31+s3], $0x50, $0x38;
	[tilespmem:$0x16500] =	vst v63  }
0x3d: {  	_ =	swait.ge [sflag:s12], $0x50  }
0x3e: {  	[sflag:s12] =	ssyncset.done $0x0  }
0x3f: {  	[sflag:s12] =	ssyncadd.s32 $0xFFFFFFB0  }
0x40: {  	[tilespmem:s15], [sflag:$0x1] =	stream.indirect.gather [hbm4b:s4+s14], $0x80, s3, s14, $0xb8;
	[tilespmem:$0x16500] =	vst v63  }
0x41: {  	_ =	swait.ge [sflag:s12], $0x2800  }
0x42: {  	[sflag:s12] =	ssyncset.done $0x0  }
0x43: {  	[sflag:s12] =	ssyncadd.s32 $0xFFFFD800  }
0x44: {  	[spmem:s1] =	stream.indirect.scatter.add.f32 [tilespmem:s15], [sflag:$0x1], $0x80, s13, s14, $0xb8;
	[tilespmem:$0x16500] =	vst v63  }
0x45: {  	_ =	swait.ge [sflag:s12], $0x2800  }
0x46: {  	s16 =	sadd.s32 $0x1, s16;
	[sflag:s12] =	ssyncset.done $0x0  }
0x47: {  	p0 =	sne.s32 s16, s6;
	[sflag:s12] =	ssyncadd.s32 $0xFFFFD800  }
.Ltmp1:
0x48: {  	[bflag:$0x0] =	sbarrier.arrive $0xFFFF;
	(pc) =	sbr.rel @p0 .LBB2_1-.Ltmp1, $4  }
0x49: {  	[hbm:s5], [sflag:s8] =	dma.local [spmem:s11], $0x2780  }
0x4a: {  	_ =	swait.ge [sflag:s12], $0x2780  }
0x4b: {  	[sflag:s12] =	ssyncset.done $0x0  }
0x4c: {  	[sflag:s12] =	ssyncadd.s32 $0xFFFFD880  }
0x4d: {  	_ =	sfence.sel $0x180000  }
0x4e: {  	[bflag:$0x0] =	sbarrier.arrive $0xFFFF  }
0x4f: {  	p0 =	sne.s32 s2, $0x0;
	_ =	strace $0x90000047  }
0x50: {  	s0 =	sadd.s32 @!p0 $0x100000, s0;
	[bflag:$0x2] =	sbarrier.arrive $0xFFFF  }
0x51: {  	[sflag:s0] =	ssyncadd.tile.s32 @!p0 $0x1;
	_ =	shalt  }
.Lfunc_end2:
_tile_overlayer_lowered:
.L_overlay_start_2:
0x52: {  	(tag) =	ssettag $0x2  }
0x53: {  	s0 =	rddreg [dreg:$0x0];
	s2 =	stileid.u32  }
0x54: {  	s1 =	rddreg [dreg:$0x1];
	p0 =	sne.s32 s2, $0x0  }
0x55: {  	s3 =	rddreg [dreg:$0x2];
	[bflag:$0x3] =	sbarrier.arrive $0xFFFF;
	s2 =	simm.s32 @!p0 $0x1C01  }
0x56: {  	[timem:s3], [sflag:s2] =	dma.local @!p0 [hbm:s0], s1  }
0x57: {  	s0 =	simm.s32 @!p0 $0x1  }
0x58: {  	_ =	swait.ge @!p0 [sflag:s0], s1  }
0x59: {  	s1 =	ssub.s32 @!p0 $0x0, s1;
	[sflag:s0] =	ssyncset.done @!p0 $0x0  }
0x5a: {  	[sflag:s0] =	ssyncadd.s32 @!p0 s1  }
0x5b: {  	[bflag:$0x3] =	sbarrier.arrive $0xFFFF  }
0x5c: {  	_ =	shalt  }

</sc_bundles>
